<compile_context>
chip_gen: v7x
topology: tpu7x:2x2x1
jax: 0.10.2.dev20260603
libtpu: 0.0.44.dev20260713+nightly
codegen_flags: <defaults>
</compile_context>

<pallas_src>
import functools

import jax
import jax.numpy as jnp
from jax import lax
from jax.experimental import pallas as pl
from jax.experimental.pallas import tpu as pltpu
from jax.experimental.pallas import tpu_sc as plsc

_NC = 2
_NS = 16


def _sc_gather_packed(table, idx, b_per_w, nw_used):
    B = idx.shape[0]
    D = table.shape[1]
    half_rows = B // 2
    mesh = plsc.VectorSubcoreMesh(core_axis_name="c", subcore_axis_name="s")

    @functools.partial(
        pl.kernel,
        mesh=mesh,
        compiler_params=pltpu.CompilerParams(use_tc_tiling_on_sc=False),
        out_type=jax.ShapeDtypeStruct((half_rows, 2 * D), jnp.float32),
        scratch_types=[
            pltpu.VMEM((b_per_w,), jnp.int32),
            pltpu.VMEM((b_per_w, D), jnp.float32),
            pltpu.SemaphoreType.DMA,
        ],
    )
    def k(table_hbm, idx_hbm, out_hbm, idx_v, rows_v, sem):
        wid = lax.axis_index("s") * _NC + lax.axis_index("c")

        @pl.when(wid < nw_used)
        def _():
            base = wid * b_per_w
            half = wid // (nw_used // 2)
            rbase = base - half * half_rows
            lane = half * D
            pltpu.sync_copy(idx_hbm.at[pl.ds(base, b_per_w)], idx_v)
            pltpu.async_copy(table_hbm.at[idx_v], rows_v, sem).wait()
            pltpu.sync_copy(
                rows_v, out_hbm.at[pl.ds(rbase, b_per_w), pl.ds(lane, D)]
            )

    return k(table, idx)


def _tc_body(n_scales, vec2_ref, w2_ref, sid_ref, fid_ref, tbl_ref, out_ref):
    br = out_ref.shape[0]
    x2 = vec2_ref[...]
    w2 = w2_ref[0]
    tok = lax.dot_general(
        x2, w2, (((1,), (0,)), ((), ())), preferred_element_type=jnp.float32
    )
    s = jnp.minimum(sid_ref[0], n_scales - 1)
    f = fid_ref[0] + 16
    iota = lax.broadcasted_iota(jnp.int32, (32, br), 0)
    oh = ((iota == s) | (iota == f)).astype(jnp.float32)
    emb = lax.dot_general(
        oh, tbl_ref[...], (((0,), (0,)), ((), ())),
        preferred_element_type=jnp.float32,
    )
    out_ref[...] = tok + emb


def kernel(tokens, scale_ids, frame_ids, codebook, W_proj, scale_table, frame_table):
    L = tokens.shape[0]
    D = codebook.shape[1]
    NE = W_proj.shape[0]
    n_scales = scale_table.shape[0]

    vec2 = _sc_gather_packed(codebook, tokens.astype(jnp.int32), 80, 28)

    W2 = (
        jnp.zeros((2, 2 * D, NE), jnp.float32)
        .at[0, :D].set(W_proj.T)
        .at[1, D:].set(W_proj.T)
    )
    tbl = (
        jnp.zeros((32, NE), jnp.float32)
        .at[:n_scales].set(scale_table)
        .at[16:18].set(frame_table)
    )
    BR = 1120
    grid = L // BR
    sids3 = scale_ids.astype(jnp.int32).reshape(grid, 1, BR)
    fids3 = frame_ids.astype(jnp.int32).reshape(grid, 1, BR)

    out = pl.pallas_call(
        functools.partial(_tc_body, n_scales),
        grid=(grid,),
        in_specs=[
            pl.BlockSpec((BR, 2 * D), lambda i: (0, 0)),
            pl.BlockSpec((1, 2 * D, NE), lambda i: (i, 0, 0)),
            pl.BlockSpec((1, 1, BR), lambda i: (i, 0, 0)),
            pl.BlockSpec((1, 1, BR), lambda i: (i, 0, 0)),
            pl.BlockSpec((32, NE), lambda i: (0, 0)),
        ],
        out_specs=pl.BlockSpec((BR, NE), lambda i: (i, 0)),
        out_shape=jax.ShapeDtypeStruct((L, NE), jnp.float32),
    )(vec2, W2, sids3, fids3, tbl)
    return out

# --- scband reference (transcript-rebuilt; emitter-appended) ---
"""Pipeline reference for scband-nspembedding-26448408609588 (READ-ONLY COPY).

The authoritative reference and input builder live on the scoring server;
editing this copy changes nothing except your own understanding.
"""

import jax, jax.numpy as jnp
import numpy as np

K = 8192
CODE_DIM = 64
N_EMBD = 1024
N_SCALES = 10
L = 2240

def setup_inputs(seed: int = 0) -> dict:
    key = jax.random.key(seed)
    ks = jax.random.split(key, 7)
    tokens = jax.random.randint(ks[0], (L,), 0, K)
    scale_ids = jnp.sort(jax.random.randint(ks[1], (L,), 0, N_SCALES))
    frame_ids = jax.random.randint(ks[2], (L,), 0, 2)
    codebook = jax.random.normal(ks[3], (K, CODE_DIM), dtype=jnp.float32)
    W_proj = jax.random.normal(ks[4], (N_EMBD, CODE_DIM), dtype=jnp.float32) / np.sqrt(CODE_DIM)
    scale_table = jax.random.normal(ks[5], (N_SCALES, N_EMBD), dtype=jnp.float32) * 0.02
    frame_table = jax.random.normal(ks[6], (2, N_EMBD), dtype=jnp.float32) * 0.02
    return {"tokens": tokens, "scale_ids": scale_ids, "frame_ids": frame_ids,
            "codebook": codebook, "W_proj": W_proj,
            "scale_table": scale_table, "frame_table": frame_table}

def reference(tokens, scale_ids, frame_ids, codebook, W_proj, scale_table, frame_table):
    # vectors = stop_gradient(one_hot(tokens, K) @ codebook)  (codebook row lookup)
    Kk = codebook.shape[0]
    vectors = jax.lax.stop_gradient(jax.nn.one_hot(tokens, Kk, dtype=codebook.dtype) @ codebook)
    # vmap(Linear(codebook_dim -> n_embd, no bias)): eqx Linear weight is (out, in)
    tok_emb = vectors @ W_proj.T
    sc = jnp.minimum(scale_ids, scale_table.shape[0] - 1)
    scale_emb = jnp.take(scale_table, sc, axis=0)
    frame_emb = jnp.take(frame_table, frame_ids, axis=0)
    return tok_emb + scale_emb + frame_emb

if __name__ == "__main__":
    import jax
    _d = setup_inputs()
    print(jax.jit(kernel)(*tuple(_d.values())))

</pallas_src>

<mosaic_0001>
#map = affine_map<(d0, d1) -> (0, 0)>
#map1 = affine_map<(d0, d1) -> (0)>
module attributes {stable_mosaic.version = 14 : i64} {
  func.func @k(%arg0: i32, %arg1: i32, %arg2: memref<8192x64xf32, #tpu.memory_space<hbm>>, %arg3: memref<2240xi32, #tpu.memory_space<hbm>>, %arg4: memref<1120x128xf32, #tpu.memory_space<hbm>>, %arg5: memref<80xi32, #tpu.memory_space<vmem>>, %arg6: memref<80x64xf32, #tpu.memory_space<vmem>>, %arg7: memref<!tpu.dma_semaphore, #tpu.memory_space<semaphore_mem>>) attributes {dimension_semantics = [#tpu.dimension_semantics<core_parallel>, #tpu.dimension_semantics<subcore_parallel>], iteration_bounds = array<i64: 2, 16>, scalar_prefetch = 0 : i64, scratch_operands = 3 : i64, tpu.core_type = #tpu.core_type<sc_vector_subcore>, window_params = [{transform_indices = #map}, {transform_indices = #map1}, {transform_indices = #map}]} {
    %mul3A = arith.constant 2 : i32
    %mul3A_0 = arith.muli %arg1, %mul3A : i32
    %add3A = arith.addi %mul3A_0, %arg0 : i32
    %lt3A = arith.constant 28 : i32
    %lt3A_1 = arith.cmpi slt, %add3A, %lt3A : i32
    %convert_element_type3A = arith.extui %lt3A_1 : i1 to i32
    %cond3A = arith.constant 0 : i32
    %cond3A_2 = arith.cmpi ne, %convert_element_type3A, %cond3A : i32
    scf.if %cond3A_2 {
      %mul3A_3 = arith.constant 80 : i32
      %mul3A_4 = arith.muli %add3A, %mul3A_3 : i32
      %jit3A = arith.constant 14 : i32
      %div3A = arith.divsi %add3A, %jit3A : i32
      %sign3A = arith.constant 0 : i32
      %sign3A_5 = arith.cmpi sgt, %add3A, %sign3A : i32
      %sign3A_6 = arith.extui %sign3A_5 : i1 to i32
      %sign3A_7 = arith.constant 0 : i32
      %sign3A_8 = arith.cmpi slt, %add3A, %sign3A_7 : i32
      %sign3A_9 = arith.extui %sign3A_8 : i1 to i32
      %sign3A_10 = arith.subi %sign3A_6, %sign3A_9 : i32
      %sign3A_11 = arith.constant 0 : i32
      %sign3A_12 = arith.cmpi sgt, %jit3A, %sign3A_11 : i32
      %sign3A_13 = arith.extui %sign3A_12 : i1 to i32
      %sign3A_14 = arith.constant 0 : i32
      %sign3A_15 = arith.cmpi slt, %jit3A, %sign3A_14 : i32
      %sign3A_16 = arith.extui %sign3A_15 : i1 to i32
      %sign3A_17 = arith.subi %sign3A_13, %sign3A_16 : i32
      %ne3A = arith.cmpi ne, %sign3A_10, %sign3A_17 : i32
      %rem3A = arith.remsi %add3A, %jit3A : i32
      %ne3A_18 = arith.constant 0 : i32
      %ne3A_19 = arith.cmpi ne, %rem3A, %ne3A_18 : i32
      %and3A = arith.andi %ne3A, %ne3A_19 : i1
      %sub3A = arith.constant 1 : i32
      %sub3A_20 = arith.subi %div3A, %sub3A : i32
      %select_n3A = arith.select %and3A, %sub3A_20, %div3A : i32
      %mul3A_21 = arith.constant 1120 : i32
      %mul3A_22 = arith.muli %select_n3A, %mul3A_21 : i32
      %sub3A_23 = arith.subi %mul3A_4, %mul3A_22 : i32
      %mul3A_24 = arith.constant 64 : i32
      %mul3A_25 = arith.muli %select_n3A, %mul3A_24 : i32
      "tpu.region"() ({
        %run_scoped3A = tpu.sem_alloc : memref<!tpu.dma_semaphore, #tpu.memory_space<semaphore_mem>>
        %dma_start3A_30 = tpu.memref_slice %arg3[%mul3A_4] : memref<2240xi32, #tpu.memory_space<hbm>> -> memref<80xi32, #tpu.memory_space<hbm>>
        %dma_start3A_31 = tpu.memref_slice %arg3[%mul3A_4] : memref<2240xi32, #tpu.memory_space<hbm>> -> memref<80xi32, #tpu.memory_space<hbm>>
        tpu.enqueue_dma source(%dma_start3A_31 : memref<80xi32, #tpu.memory_space<hbm>>) target(%arg5 : memref<80xi32, #tpu.memory_space<vmem>>) target_semaphore(%run_scoped3A : memref<!tpu.dma_semaphore, #tpu.memory_space<semaphore_mem>>)
        %dma_wait3A_32 = tpu.memref_slice %arg3[%mul3A_4] : memref<2240xi32, #tpu.memory_space<hbm>> -> memref<80xi32, #tpu.memory_space<hbm>>
        %dma_wait3A_33 = tpu.memref_slice %arg3[%mul3A_4] : memref<2240xi32, #tpu.memory_space<hbm>> -> memref<80xi32, #tpu.memory_space<hbm>>
        tpu.wait_dma2 semaphore(%run_scoped3A : memref<!tpu.dma_semaphore, #tpu.memory_space<semaphore_mem>>) src(%dma_wait3A_33 : memref<80xi32, #tpu.memory_space<hbm>>) dst(%arg5 : memref<80xi32, #tpu.memory_space<vmem>>)
        tpu.yield
      }) : () -> ()
      %dma_start3A = arith.constant 0 : i32
      %dma_start3A_26 = arith.constant 0 : i32
      %dma_start3A_27 = tpu.memref_slice %arg2[%dma_start3A, %dma_start3A_26] : memref<8192x64xf32, #tpu.memory_space<hbm>> -> memref<8192x64xf32, #tpu.memory_space<hbm>>
      tpu.enqueue_indirect_dma source(%dma_start3A_27 : memref<8192x64xf32, #tpu.memory_space<hbm>>) target(%arg6 : memref<80x64xf32, #tpu.memory_space<vmem>>) offsets(%arg5 : memref<80xi32, #tpu.memory_space<vmem>>) semaphore(%arg7 : memref<!tpu.dma_semaphore, #tpu.memory_space<semaphore_mem>>)
      %dma_wait3A = arith.constant 0 : i32
      %dma_wait3A_28 = arith.constant 0 : i32
      %dma_wait3A_29 = tpu.memref_slice %arg2[%dma_wait3A, %dma_wait3A_28] : memref<8192x64xf32, #tpu.memory_space<hbm>> -> memref<8192x64xf32, #tpu.memory_space<hbm>>
      tpu.wait_indirect_dma semaphore(%arg7 : memref<!tpu.dma_semaphore, #tpu.memory_space<semaphore_mem>>) src(%dma_wait3A_29 : memref<8192x64xf32, #tpu.memory_space<hbm>>) dst(%arg6 : memref<80x64xf32, #tpu.memory_space<vmem>>)
      "tpu.region"() ({
        %run_scoped3A = tpu.sem_alloc : memref<!tpu.dma_semaphore, #tpu.memory_space<semaphore_mem>>
        %dma_start3A_30 = tpu.memref_slice %arg4[%sub3A_23, %mul3A_25] : memref<1120x128xf32, #tpu.memory_space<hbm>> -> memref<80x64xf32, #tpu.memory_space<hbm>>
        %dma_start3A_31 = tpu.memref_slice %arg4[%sub3A_23, %mul3A_25] : memref<1120x128xf32, #tpu.memory_space<hbm>> -> memref<80x64xf32, #tpu.memory_space<hbm>>
        tpu.enqueue_dma source(%arg6 : memref<80x64xf32, #tpu.memory_space<vmem>>) target(%dma_start3A_31 : memref<80x64xf32, #tpu.memory_space<hbm>>) target_semaphore(%run_scoped3A : memref<!tpu.dma_semaphore, #tpu.memory_space<semaphore_mem>>)
        %dma_wait3A_32 = tpu.memref_slice %arg4[%sub3A_23, %mul3A_25] : memref<1120x128xf32, #tpu.memory_space<hbm>> -> memref<80x64xf32, #tpu.memory_space<hbm>>
        %dma_wait3A_33 = tpu.memref_slice %arg4[%sub3A_23, %mul3A_25] : memref<1120x128xf32, #tpu.memory_space<hbm>> -> memref<80x64xf32, #tpu.memory_space<hbm>>
        tpu.wait_dma2 semaphore(%run_scoped3A : memref<!tpu.dma_semaphore, #tpu.memory_space<semaphore_mem>>) src(%arg6 : memref<80x64xf32, #tpu.memory_space<vmem>>) dst(%dma_wait3A_33 : memref<80x64xf32, #tpu.memory_space<hbm>>)
        tpu.yield
      }) : () -> ()
    } else {
    }
    return
  }
}

module attributes {stable_mosaic.version = 14 : i64} {
  func.func @_tc_body(%arg0: i32, %arg1: memref<1120x128xf32, #tpu.memory_space<vmem>>, %arg2: memref<1x128x1024xf32, #tpu.memory_space<vmem>>, %arg3: memref<1x1x1120xi32, #tpu.memory_space<vmem>>, %arg4: memref<1x1x1120xi32, #tpu.memory_space<vmem>>, %arg5: memref<32x1024xf32, #tpu.memory_space<vmem>>, %arg6: memref<1120x1024xf32, #tpu.memory_space<vmem>>) attributes {dimension_semantics = [#tpu.dimension_semantics<arbitrary>], iteration_bounds = array<i64: 2>, scalar_prefetch = 0 : i64, scratch_operands = 0 : i64, tpu.core_type = #tpu.core_type<tc>, window_params = [{pipeline_mode = #tpu.pipeline_mode<synchronous>, transform_indices = @transform_0, window_bounds = array<i64: 1120, 128>}, {transform_indices = @transform_1, window_bounds = array<i64: 1, 128, 1024>}, {transform_indices = @transform_2, window_bounds = array<i64: 1, 1, 1120>}, {transform_indices = @transform_3, window_bounds = array<i64: 1, 1, 1120>}, {pipeline_mode = #tpu.pipeline_mode<synchronous>, transform_indices = @transform_4, window_bounds = array<i64: 32, 1024>}, {transform_indices = @transform_5, window_bounds = array<i64: 1120, 1024>}]} {
    %get3A = arith.constant 0 : index
    %get3A_0 = arith.constant 0 : index
    %get3A_1 = vector.load %arg1[%get3A, %get3A_0] : memref<1120x128xf32, #tpu.memory_space<vmem>>, vector<1120x128xf32>
    %get3A_2 = arith.constant 0 : index
    %get3A_3 = arith.constant 0 : index
    %get3A_4 = arith.constant 0 : index
    %get3A_5 = vector.load %arg2[%get3A_2, %get3A_3, %get3A_4] : memref<1x128x1024xf32, #tpu.memory_space<vmem>>, vector<1x128x1024xf32>
    %get3A_6 = vector.shape_cast %get3A_5 : vector<1x128x1024xf32> to vector<128x1024xf32>
    %dot_general3A = arith.constant dense<0.000000e+00> : vector<1120x1024xf32>
    %dot_general3A_7 = tpu.matmul %get3A_1, %get3A_6, %dot_general3A {dimension_numbers = #tpu.dot_dimension_numbers<[1], [0], [0], [1], [0, 0, 1, 1], [], []>, transpose_lhs_hint = false} : vector<1120x128xf32>, vector<128x1024xf32>, vector<1120x1024xf32> -> vector<1120x1024xf32>
    %get3A_8 = arith.constant 0 : index
    %get3A_9 = arith.constant 0 : index
    %get3A_10 = arith.constant 0 : index
    %get3A_11 = vector.load %arg3[%get3A_8, %get3A_9, %get3A_10] : memref<1x1x1120xi32, #tpu.memory_space<vmem>>, vector<1x1x1120xi32>
    %get3A_12 = vector.shape_cast %get3A_11 : vector<1x1x1120xi32> to vector<1x1120xi32>
    %min3A = arith.constant 9 : i32
    %min3A_13 = vector.broadcast %min3A : i32 to vector<1x1120xi32>
    %min3A_14 = arith.minsi %get3A_12, %min3A_13 : vector<1x1120xi32>
    %get3A_15 = arith.constant 0 : index
    %get3A_16 = arith.constant 0 : index
    %get3A_17 = arith.constant 0 : index
    %get3A_18 = vector.load %arg4[%get3A_15, %get3A_16, %get3A_17] : memref<1x1x1120xi32, #tpu.memory_space<vmem>>, vector<1x1x1120xi32>
    %get3A_19 = vector.shape_cast %get3A_18 : vector<1x1x1120xi32> to vector<1x1120xi32>
    %add3A = arith.constant 16 : i32
    %add3A_20 = vector.broadcast %add3A : i32 to vector<1x1120xi32>
    %add3A_21 = arith.addi %get3A_19, %add3A_20 : vector<1x1120xi32>
    %iota3A = tpu.iota {dimensions = array<i32: 0>} : vector<32x1120xi32>
    %eq3A = vector.broadcast %min3A_14 : vector<1x1120xi32> to vector<32x1120xi32>
    %eq3A_22 = arith.cmpi eq, %iota3A, %eq3A : vector<32x1120xi32>
    %eq3A_23 = vector.broadcast %add3A_21 : vector<1x1120xi32> to vector<32x1120xi32>
    %eq3A_24 = arith.cmpi eq, %iota3A, %eq3A_23 : vector<32x1120xi32>
    %or3A = arith.ori %eq3A_22, %eq3A_24 : vector<32x1120xi1>
    %convert_element_type3A = arith.extui %or3A : vector<32x1120xi1> to vector<32x1120xi32>
    %convert_element_type3A_25 = arith.sitofp %convert_element_type3A : vector<32x1120xi32> to vector<32x1120xf32>
    %get3A_26 = arith.constant 0 : index
    %get3A_27 = arith.constant 0 : index
    %get3A_28 = vector.load %arg5[%get3A_26, %get3A_27] : memref<32x1024xf32, #tpu.memory_space<vmem>>, vector<32x1024xf32>
    %dot_general3A_29 = arith.constant dense<0.000000e+00> : vector<1120x1024xf32>
    %dot_general3A_30 = tpu.matmul %convert_element_type3A_25, %get3A_28, %dot_general3A_29 {dimension_numbers = #tpu.dot_dimension_numbers<[0], [0], [1], [1], [0, 1, 1, 1], [], []>, transpose_lhs_hint = false} : vector<32x1120xf32>, vector<32x1024xf32>, vector<1120x1024xf32> -> vector<1120x1024xf32>
    %add3A_31 = arith.addf %dot_general3A_7, %dot_general3A_30 : vector<1120x1024xf32>
    %swap3A = arith.constant 0 : index
    %swap3A_32 = arith.constant 0 : index
    %swap3A_33 = vector.load %arg6[%swap3A, %swap3A_32] : memref<1120x1024xf32, #tpu.memory_space<vmem>>, vector<1120x1024xf32>
    tpu.vector_store %arg6[%swap3A, %swap3A_32], %add3A_31 {strides = array<i32>} : memref<1120x1024xf32, #tpu.memory_space<vmem>>, vector<1120x1024xf32>,
    return
  }
  func.func @transform_0(%arg0: i32) -> (i32, i32) {
    %c0_i32 = arith.constant 0 : i32
    %c0_i32_0 = arith.constant 0 : i32
    %c0_i32_1 = arith.constant 0 : i32
    return %c0_i32, %c0_i32_0 : i32, i32
  }
  func.func @transform_1(%arg0: i32) -> (i32, i32, i32) {
    %c0_i32 = arith.constant 0 : i32
    %c0_i32_0 = arith.constant 0 : i32
    %c0_i32_1 = arith.constant 0 : i32
    return %arg0, %c0_i32, %c0_i32_0 : i32, i32, i32
  }
  func.func @transform_2(%arg0: i32) -> (i32, i32, i32) {
    %c0_i32 = arith.constant 0 : i32
    %c0_i32_0 = arith.constant 0 : i32
    %c0_i32_1 = arith.constant 0 : i32
    return %arg0, %c0_i32, %c0_i32_0 : i32, i32, i32
  }
  func.func @transform_3(%arg0: i32) -> (i32, i32, i32) {
    %c0_i32 = arith.constant 0 : i32
    %c0_i32_0 = arith.constant 0 : i32
    %c0_i32_1 = arith.constant 0 : i32
    return %arg0, %c0_i32, %c0_i32_0 : i32, i32, i32
  }
  func.func @transform_4(%arg0: i32) -> (i32, i32) {
    %c0_i32 = arith.constant 0 : i32
    %c0_i32_0 = arith.constant 0 : i32
    %c0_i32_1 = arith.constant 0 : i32
    return %c0_i32, %c0_i32_0 : i32, i32
  }
  func.func @transform_5(%arg0: i32) -> (i32, i32) {
    %c0_i32 = arith.constant 0 : i32
    %c0_i32_0 = arith.constant 0 : i32
    return %arg0, %c0_i32 : i32, i32
  }
}

</mosaic_0001>

<sc_bundles>
// kernel: kernel.4.cloned.1.call-start
scs
__scs_entry_jumppad:
0x0: {  	(pc) =	sbr.rel $0x88, $3  }
0x1: {  	(tag) =	ssettag $0x0;
	lr =	simm.s32 $0x1  }
0x2: {  	[smem:$0x3F9A] =	sst lr;
	_ =	strace $0xD0000000  }
0x3: {  	_ = 	snop  }
0x4: {  	_ = 	snop  }
0x5: {  	_ = 	snop  }
0x6: {  	_ = 	snop  }
0x7: {  	_ = 	snop  }
__scs_overlays_trampoline_lowered:
0x8: {  	[smem:$0x3FA9] =	sst s0  }
0x9: {  	[smem:$0x3FAA] =	sst s1  }
0xa: {  	[smem:$0x3FAB] =	sst s2  }
0xb: {  	[smem:$0x3FAC] =	sst s3  }
0xc: {  	[smem:$0x3FAD] =	sst s4  }
0xd: {  	[smem:$0x3FAE] =	sst s5  }
0xe: {  	[smem:$0x3FAF] =	sst s6  }
0xf: {  	[smem:$0x3FB0] =	sst s7  }
0x10: {  	[smem:$0x3FB1] =	sst s8  }
0x11: {  	[smem:$0x3FB2] =	sst s9;
	s0 =	simm.s32 @!p0 $0x0  }
0x12: {  	s1 =	sld [smem:$0x3F98];
	s0 =	simm.s32 @p0 $0x1  }
0x13: {  	[smem:$0x3FB3] =	sst s0;
	s0 =	simm.s32 @!p1 $0x0  }
0x14: {  	s2 =	sld [smem:$0x3F97];
	s0 =	simm.s32 @p1 $0x1  }
0x15: {  	[smem:$0x3FB4] =	sst s0;
	s0 =	simm.s32 @!p2 $0x0  }
0x16: {  	s3 =	sld [smem:$0x3FDB];
	s0 =	simm.s32 @p2 $0x1  }
0x17: {  	s4 =	simm.s32 $0x1BF5;
	[smem:$0x3FB6] =	sst s0  }
0x18: {  	s0 =	sld [smem:$0x3F99];
	_ =	swait.ge [sflag:s4], $0x0  }
0x19: {  	s7 =	sld [smem:$0x3F9A]  }
0x1a: {  	s8 =	sadd.s32 $0xFFFFE003, lr  }
0x1b: {  	s9 =	sadd.s32 $0xFFFFFEF7, lr;
	s5 =	simm.s32 $0xFFFFFFFF;
	p2 =	slt.u32 s8, $0xFFFFF086  }
0x1c: {  	p1 =	slt.u32 s9, $0xF7A;
	s5 =	simm.s32 @!p2 $0x0  }
0x1d: {  	s5 =	simm.s32 @p1 $0x1;
	p0 =	seq.s32 s7, s2  }
0x1e: {  	s7 =	smul.u32 @!p0 $0xF7A, s2;
	p2 =	seq.s32 @!p0 s5, $0x0  }
0x1f: {  	s9 =	smul.u32 $0xF7A, s1;
	s8 =	simm.s32 @!p0 $0x1BF5;
	p2 =	por !p2, p0  }
0x20: {  	[sflag:s8] =	ssyncset.s32 @!p0 $0xFFFFF086;
	s6 =	sadd.s32 @!p0 s3, s7;
	s7 =	simm.s32 @!p0 $0x108  }
0x21: {  	s3 =	sadd.s32 s3, s9;
	s6 =	sadd.s32 @!p0 $0x88, s6;
	s7 =	simm.s32 @p2 $0x1082  }
0x22: {  	[simem:s7], [sflag:s8] =	dma.local @!p0 [hbm:s6], $0xF7A  }
0x23: {  	s9 =	sor.u32 $0xD0000000, s2;
	s6 =	simm.s32 $0x108;
	_ =	swait.ge @!p0 [sflag:s8], $0x0  }
0x24: {  	s3 =	sadd.s32 $0x88, s3;
	s6 =	simm.s32 @!p1 $0x1082;
	[sflag:s4] =	ssyncset.s32 $0xFFFFF086  }
0x25: {  	[simem:s6], [sflag:s4] =	dma.local [hbm:s3], $0xF7A  }
0x26: {  	[smem:$0x3F9A] =	sst s1;
	(tag) =	ssettag s2;
	_ =	strace s9  }
0x27: {  	s1 =	sld [smem:$0x3FAA]  }
0x28: {  	s2 =	sld [smem:$0x3FAB]  }
0x29: {  	s4 =	sld [smem:$0x3FAD]  }
0x2a: {  	p0 =	seq.s32 s5, $0x0;
	s5 =	sld [smem:$0x3FAE]  }
0x2b: {  	s6 =	sld [smem:$0x3FAF]  }
0x2c: {  	s7 =	sld [smem:$0x3FB0]  }
0x2d: {  	s3 =	simm.s32 $0x108;
	s8 =	sld [smem:$0x3FB1]  }
0x2e: {  	s3 =	simm.s32 @!p0 $0x1082;
	s9 =	sld [smem:$0x3FB2]  }
0x2f: {  	lr =	sadd.s32 s0, s3;
	s0 =	sld [smem:$0x3FA9]  }
0x30: {  	s3 =	sld [smem:$0x3FAC]  }
0x31: {  	[smem:$0x3FB5] =	sst s10  }
0x32: {  	s10 =	sld [smem:$0x3FB3];
	_ =	sdelay $0x3  }
0x33: {  	p0 =	seq.s32 s10, $0x1;
	s10 =	sld [smem:$0x3FB5];
	_ =	sdelay $0x3  }
0x34: {  	[smem:$0x3FB5] =	sst s10  }
0x35: {  	s10 =	sld [smem:$0x3FB4];
	_ =	sdelay $0x3  }
0x36: {  	p1 =	seq.s32 s10, $0x1;
	s10 =	sld [smem:$0x3FB5];
	_ =	sdelay $0x3  }
0x37: {  	[smem:$0x3FB5] =	sst s10  }
0x38: {  	s10 =	sld [smem:$0x3FB6]  }
0x39: {  	_ = 	snop;
	(pc) =	sbr.ind lr, $3  }
0x3a: {  	_ = 	snop  }
0x3b: {  	_ = 	snop  }
0x3c: {  	p2 =	seq.s32 s10, $0x1;
	s10 =	sld [smem:$0x3FB5]  }
0x3d: {  	_ =	shalt  }
0x3e: {  	_ =	shalt  }
0x3f: {  	_ =	shalt  }
0x40: {  	_ =	shalt  }
0x41: {  	_ =	shalt  }
0x42: {  	_ =	shalt  }
0x43: {  	_ =	shalt  }
0x44: {  	_ =	shalt  }
0x45: {  	_ =	shalt  }
0x46: {  	_ =	shalt  }
0x47: {  	_ =	shalt  }
0x48: {  	_ =	shalt  }
0x49: {  	_ =	shalt  }
0x4a: {  	_ =	shalt  }
0x4b: {  	_ =	shalt  }
0x4c: {  	_ =	shalt  }
0x4d: {  	_ =	shalt  }
0x4e: {  	_ =	shalt  }
0x4f: {  	_ =	shalt  }
0x50: {  	_ =	shalt  }
0x51: {  	_ =	shalt  }
0x52: {  	_ =	shalt  }
0x53: {  	_ =	shalt  }
0x54: {  	_ =	shalt  }
0x55: {  	_ =	shalt  }
0x56: {  	_ =	shalt  }
0x57: {  	_ =	shalt  }
0x58: {  	_ =	shalt  }
0x59: {  	_ =	shalt  }
0x5a: {  	_ =	shalt  }
0x5b: {  	_ =	shalt  }
0x5c: {  	_ =	shalt  }
0x5d: {  	_ =	shalt  }
0x5e: {  	_ =	shalt  }
0x5f: {  	_ =	shalt  }
0x60: {  	_ =	shalt  }
0x61: {  	_ =	shalt  }
0x62: {  	_ =	shalt  }
0x63: {  	_ =	shalt  }
0x64: {  	_ =	shalt  }
0x65: {  	_ =	shalt  }
0x66: {  	_ =	shalt  }
0x67: {  	_ =	shalt  }
0x68: {  	_ =	shalt  }
0x69: {  	_ =	shalt  }
0x6a: {  	_ =	shalt  }
0x6b: {  	_ =	shalt  }
0x6c: {  	_ =	shalt  }
0x6d: {  	_ =	shalt  }
0x6e: {  	_ =	shalt  }
0x6f: {  	_ =	shalt  }
0x70: {  	_ =	shalt  }
0x71: {  	_ =	shalt  }
0x72: {  	_ =	shalt  }
0x73: {  	_ =	shalt  }
0x74: {  	_ =	shalt  }
0x75: {  	_ =	shalt  }
0x76: {  	_ =	shalt  }
0x77: {  	_ =	shalt  }
0x78: {  	_ =	shalt  }
0x79: {  	_ =	shalt  }
0x7a: {  	_ =	shalt  }
0x7b: {  	_ =	shalt  }
0x7c: {  	_ =	shalt  }
0x7d: {  	_ =	shalt  }
0x7e: {  	_ =	shalt  }
0x7f: {  	_ =	shalt  }
0x80: {  	_ =	shalt  }
0x81: {  	_ =	shalt  }
0x82: {  	_ =	shalt  }
0x83: {  	_ =	shalt  }
0x84: {  	_ =	shalt  }
0x85: {  	_ =	shalt  }
0x86: {  	_ =	shalt  }
0x87: {  	_ =	shalt  }
.Lfunc_end0:
.L_simem_size_0:
called_computation_lowered:
.L_overlay_start_0:
0x88: {  	s2 =	sld [smem:$0x3FD9]  }
0x89: {  	s3 =	sld [smem:$0x3FFE];
	_ =	sdelay $0x1  }
0x8a: {  	s1 =	srdreg.scid  }
0x8b: {  	s0 =	sand.u32 $0x1, s1  }
0x8c: {  	s17 =	sshll.u32 s0, $0xA;
	s2 =	sadd.s32 s3, s2  }
0x8d: {  	s2 =	sadd.s32 s2, s17  }
0x8e: {  	[smem:$0x3FC1] =	sst s2  }
0x8f: {  	_ = 	snop  }
0x90: {  	s2 =	sld [smem:$0x3FC9]  }
0x91: {  	s18 =	sld [smem:$0x3FD0];
	(tm) =	ssettm $0x1  }
0x92: {  	s4 =	sld [smem:$0x3FFB];
	_ =	sdelay $0x3  }
0x93: {  	_ =	strace s4  }
0x94: {  	s4 =	sld [smem:$0x3FFC];
	_ =	sdelay $0x3  }
0x95: {  	_ =	strace s4  }
0x96: {  	s4 =	sld [smem:$0x3FFD];
	_ =	sdelay $0x3  }
0x97: {  	_ =	strace s4  }
0x98: {  	_ =	strace $0x8FFFFFFF  }
0x99: {  	s19 =	sld [smem:$0x3FDB];
	_ =	sdelay $0x1  }
0x9a: {  	s5 =	simm.s32 $_scs_section_size  }
0x9b: {  	s6 =	simm.s32 $_size__tile_overlayer_lowered;
	s7 =	simm.s32 $_tile_overlayer_lowered  }
0x9c: {  	s22 =	simm.s32 $0x1BFF;
	s21 =	sshll.u32 s7, $0x1;
	s4 =	sadd.s32 s5, s19  }
0x9d: {  	s8 =	simm.s32 $0x0;
	s20 =	sshll.u32 s6, $0x1;
	s6 =	sadd.s32 s21, s4  }
0x9e: {  	[timem:s8], [sflag:s22] =	dma.local [hbm:s6], s20  }
0x9f: {  	_ =	swait.ge [sflag:s22], s20  }
0xa0: {  	s5 =	ssub.s32 $0x0, s20;
	[sflag:s22] =	ssyncset.done $0x0  }
0xa1: {  	[sflag:s22] =	ssyncadd.s32 s5;
	_ =	sdelay $0x1  }
0xa2: {  	s23 =	simm.s32 $0x1B8B  }
0xa3: {  	_ =	swait.ge [sflag:s23], $0x1  }
0xa4: {  	[sflag:s23] =	ssyncset.done $0x0  }
0xa5: {  	s25 =	simm.s32 $0x1B8E;
	s24 =	sld [smem:$0x3FFE];
	[sflag:s23] =	ssyncadd.s32 $0xFFFFFFFF  }
0xa6: {  	s26 =	simm.s32 $execute0_lowered;
	[smem:$0x3FD2] =	sst s25  }
0xa7: {  	s6 =	sshll.u32 s26, $0x1;
	_ =	strace $0x80000046;
	[dreg:$0x1] =	wrdreg $0xFFFFFFFF  }
0xa8: {  	s28 =	simm.s32 $_size_execute0_lowered;
	s4 =	sadd.s32 s4, s6;
	[dreg:$0x0] =	wrdreg $0x0  }
0xa9: {  	s6 =	sshll.u32 s28, $0x1;
	[dreg:$0x2] =	wrdreg s4  }
0xaa: {  	[dreg:$0x3] =	wrdreg s6  }
0xab: {  	[dreg:$0x4] =	wrdreg $0xC0  }
0xac: {  	_ =	task [dreg:s8], $0x5FFFF  }
0xad: {  	[dreg:$0x1] =	wrdreg $0xFFFFFFFF  }
0xae: {  	[dreg:$0x0] =	wrdreg $0x60  }
0xaf: {  	[dreg:$0x2] =	wrdreg s18  }
0xb0: {  	[dreg:$0x3] =	wrdreg s2  }
0xb1: {  	[dreg:$0x4] =	wrdreg s24  }
0xb2: {  	[dreg:$0x5] =	wrdreg $0x9  }
0xb3: {  	_ =	task.clear_ibuf [dreg:s8], $0x6FFFF;
	_ =	strace $0x90000046  }
0xb4: {  	s29 =	simm.s32 $0x9;
	_ =	strace $0x80000048  }
0xb5: {  	_ =	swait.ge [sflag:s29], $0x1  }
0xb6: {  	[sflag:s29] =	ssyncadd.s32 $0xFFFFFFFF  }
0xb7: {  	_ =	strace $0x90000048  }
0xb8: {  	_ =	sfence  }
0xb9: {  	s30 =	sld [smem:$0x0];
	_ =	sdelay $0x2  }
0xba: {  	s31 =	sshll.u32 s1, $0xD;
	s1 =	sshrl.u32 s1, $0x2  }
0xbb: {  	s3 =	sand.u32 $0x4000, s31;
	s1 =	sadd.s32 s1, s30  }
0xbc: {  	s0 =	sor.u32 s3, s0;
	s1 =	sshll.u32 s1, $0x11  }
0xbd: {  	s0 =	sor.u32 s1, s0  }
0xbe: {  	s0 =	sadd.s32 $0x8F2B, s0  }
0xbf: {  	[sflag:s0] =	ssyncadd.remote.s32 $0x1  }
0xc0: {  	_ =	sfence.sel $0xFFFF  }
0xc1: {  	[dreg:$0x0] =	wrdreg $0xFFFFFFFF;
	(pc) =	sbr.abs _section_cstart, $3  }
0xc2: {  	[dreg:$0x1] =	wrdreg $0xFFFFFFFF  }
0xc3: {  	_ =	task.clear_ibuf [dreg:s8], $0x2FFFF;
	_ =	strace $0x9FFFFFFF  }
0xc4: {  	(tm) =	ssettm $0x7FFFFFFF  }
0xc5: {  	_ =	shalt  }
tec
execute0_lowered:
.L_overlay_start_1:
0x0: {  	(tag) =	ssettag $0x1  }
0x1: {  	s1 =	stileid.u32  }
0x2: {  	p0 =	sgt.u32 s1, $0xD  }
.Ltmp0:
0x3: {  	s2 =	rddreg [dreg:$0x0];
	(pc) =	sbr.rel @p0 .LBB2_4-.Ltmp0, $4  }
0x4: {  	s4 =	rddreg [dreg:$0x1]  }
0x5: {  	s9 =	rddreg [dreg:$0x2];
	s3 =	simm.s32 $0x0  }
0x6: {  	[smem:$0x7FF] =	sst s3  }
0x7: {  	s0 =	rddreg [dreg:$0x3];
	_ =	strace $0x80000047  }
0x8: {  	s5 =	srdreg.scid  }
0x9: {  	s30 =	sshll.u32 s1, $0x1;
	s7 =	sand.u32 $0x1, s5  }
0xa: {  	s5 =	sor.u32 s7, s30  }
0xb: {  	p0 =	sgt.u32 s1, $0x6;
	s6 =	simm.s32 $0xFFFFFBA0;
	s5 =	smul.u32 $0x50, s5  }
0xc: {  	s10 =	simm.s32 $0x40;
	s6 =	simm.s32 @!p0 $0x0  }
0xd: {  	s10 =	simm.s32 @!p0 $0x6;
	s6 =	sadd.s32 s6, s5;
	s5 =	sshrl.u32 s5, $0x3  }
0xe: {  	s11 =	ssub.s32 $0x2, s7;
	s8 =	sshll.u32 s6, $0x7;
	s5 =	sadd.s32 s4, s5  }
0xf: {  	[tilespmem:s3], [sflag:$0x2] =	stream.linear.gather [hbm4b:s5+s3], $0x50, $0x38;
	[tilespmem:$0x1450] =	vst v63  }
0x10: {  	s7 =	simm.s32 $0x50;
	s4 =	simm.s32 $0x2;
	s8 =	sor.u32 s10, s8  }
0x11: {  	s31 =	sshrl.u32 s11, $0x1;
	_ =	swait.ge [sflag:s4], $0x50;
	s10 =	sshrl.u32 s8, $0x3  }
0x12: {  	[sflag:s4] =	ssyncset.done $0x0;
	s9 =	sadd.s32 s10, s9;
	s10 =	ssub.s32 s11, s31  }
0x13: {  	s8 =	simm.s32 $0x1;
	[sflag:s4] =	ssyncadd.s32 $0xFFFFFFB0;
	s11 =	smax.u32 s10, $0x1  }
0x14: {  	[tilespmem:s7], [sflag:$0x1] =	stream.indirect.gather [hbm4b:s2+s7], $0x40, s3, s7, $0xb8;
	[tilespmem:$0x1450] =	vst v63  }
0x15: {  	p0 =	sne.s32 s11, $0x1;
	_ =	swait.ge [sflag:s8], $0x1400  }
.Ltmp1:
0x16: {  	s6 =	simm.s32 $0x40;
	[sflag:s8] =	ssyncset.done $0x0;
	(pc) =	sbr.rel @!p0 .LBB2_3-.Ltmp1, $4  }
0x17: {  	s9 =	sadd.s32 $0x1000, s9;
	s10 =	simm.s32 $0x80;
	[sflag:s8] =	ssyncadd.s32 $0xFFFFEC00  }
0x18: {  	[hbm4b:s9+s6] =	stream.strided.scatter [tilespmem:s7], [sflag:$0x2], $0x1400, s10, s6, $0x38;
	[tilespmem:$0x1450] =	vst v63  }
0x19: {  	_ =	swait.ge [sflag:s4], $0x1400  }
0x1a: {  	s11 =	sadd.s32 $0xFFFFFFFF, s11;
	[sflag:s4] =	ssyncset.done $0x0  }
.LBB2_2:
0x1b: {  	p0 =	sne.s32 s11, $0x1;
	s11 =	sadd.s32 $0xFFFFFFFF, s11;
	[sflag:s4] =	ssyncadd.s32 $0xFFFFEC00  }
0x1c: {  	[tilespmem:s3], [sflag:$0x2] =	stream.linear.gather [hbm4b:s5+s3], $0x50, $0x38;
	[tilespmem:$0x1450] =	vst v63  }
0x1d: {  	_ =	swait.ge [sflag:s4], $0x50  }
0x1e: {  	[sflag:s4] =	ssyncset.done $0x0  }
0x1f: {  	[sflag:s4] =	ssyncadd.s32 $0xFFFFFFB0  }
0x20: {  	[tilespmem:s7], [sflag:$0x1] =	stream.indirect.gather [hbm4b:s2+s7], $0x40, s3, s7, $0xb8;
	[tilespmem:$0x1450] =	vst v63  }
0x21: {  	_ =	swait.ge [sflag:s8], $0x1400  }
.Ltmp2:
0x22: {  	[sflag:s8] =	ssyncset.done $0x0;
	(pc) =	sbr.rel @p0 .LBB2_2-.Ltmp2, $4  }
0x23: {  	[sflag:s8] =	ssyncadd.s32 $0xFFFFEC00  }
0x24: {  	[hbm4b:s9+s6] =	stream.strided.scatter [tilespmem:s7], [sflag:$0x2], $0x1400, s10, s6, $0x38;
	[tilespmem:$0x1450] =	vst v63  }
0x25: {  	_ =	swait.ge [sflag:s4], $0x1400  }
0x26: {  	[sflag:s4] =	ssyncset.done $0x0  }
.LBB2_3:
0x27: {  	[sflag:s4] =	ssyncadd.s32 $0xFFFFEC00  }
.LBB2_4:
0x28: {  	_ =	sfence.sel $0x180000  }
0x29: {  	[bflag:$0x0] =	sbarrier.arrive $0xFFFF  }
0x2a: {  	p0 =	sne.s32 s1, $0x0;
	_ =	strace $0x90000047  }
0x2b: {  	s0 =	sadd.s32 @!p0 $0x100000, s0;
	[bflag:$0x2] =	sbarrier.arrive $0xFFFF  }
0x2c: {  	[sflag:s0] =	ssyncadd.tile.s32 @!p0 $0x1;
	_ =	shalt  }
.Lfunc_end2:
_tile_overlayer_lowered:
.L_overlay_start_2:
0x2d: {  	(tag) =	ssettag $0x2  }
0x2e: {  	s0 =	rddreg [dreg:$0x0];
	s2 =	stileid.u32  }
0x2f: {  	s1 =	rddreg [dreg:$0x1];
	p0 =	sne.s32 s2, $0x0  }
0x30: {  	s3 =	rddreg [dreg:$0x2];
	[bflag:$0x3] =	sbarrier.arrive $0xFFFF;
	s2 =	simm.s32 @!p0 $0x1C02  }
0x31: {  	[timem:s3], [sflag:s2] =	dma.local @!p0 [hbm:s0], s1  }
0x32: {  	s0 =	simm.s32 @!p0 $0x2  }
0x33: {  	_ =	swait.ge @!p0 [sflag:s0], s1  }
0x34: {  	s1 =	ssub.s32 @!p0 $0x0, s1;
	[sflag:s0] =	ssyncset.done @!p0 $0x0  }
0x35: {  	[sflag:s0] =	ssyncadd.s32 @!p0 s1  }
0x36: {  	[bflag:$0x3] =	sbarrier.arrive $0xFFFF  }
0x37: {  	_ =	shalt  }

</sc_bundles>
